<compile_context>
chip_gen: v7x
topology: tpu7x:2x2x1
jax: 0.10.2.dev20260603
libtpu: 0.0.44.dev20260713+nightly
codegen_flags: <defaults>
</compile_context>

<pallas_src>
import math

import jax
import jax.numpy as jnp
from jax import lax
from jax.experimental import pallas as pl
from jax.experimental.pallas import tpu as pltpu
from jax.experimental.pallas import tpu_sc as plsc

VOCAB = 1000
SEMEME_SIZE = 2048
D_MODEL = 128

_NC = 2
_NS = 16
_NW = _NC * _NS


def _table_body(w2s_ref, lut_ref, xt_ref, t_ref, idx_ref):
    w = w2s_ref[...]
    s = jnp.sum(w, axis=1, keepdims=True) + 1e-6
    acc = jnp.dot(w, lut_ref[...], preferred_element_type=jnp.float32)
    t_ref[...] = acc * (math.sqrt(D_MODEL) / s)
    idx_ref[...] = xt_ref[...].reshape(-1)


def _build_table(word2sememe, lut_weight, xt):
    return pl.pallas_call(
        _table_body,
        out_shape=[
            jax.ShapeDtypeStruct((VOCAB, D_MODEL), jnp.float32),
            jax.ShapeDtypeStruct((xt.shape[0] * xt.shape[1],), jnp.int32),
        ],
    )(word2sememe, lut_weight, xt)


def _sc_gather(table, idx):
    n = idx.shape[0]
    vocab = table.shape[0]
    b_per_w = n // _NW
    loaders = 5
    rows_per_loader = vocab // loaders
    mesh = plsc.VectorSubcoreMesh(core_axis_name="c", subcore_axis_name="s")

    n_chunks = 4
    chunk = b_per_w // n_chunks

    @pl.kernel(
        mesh=mesh,
        out_type=jax.ShapeDtypeStruct((n, D_MODEL), jnp.float32),
        scratch_types=[
            pltpu.VMEM((b_per_w,), jnp.int32),
            pltpu.VMEM((chunk, D_MODEL), jnp.float32),
            pltpu.VMEM((chunk, D_MODEL), jnp.float32),
            pltpu.VMEM_SHARED((vocab, D_MODEL), jnp.float32),
            pltpu.SemaphoreType.DMA,
            pltpu.SemaphoreType.DMA,
            pltpu.SemaphoreType.DMA,
            pltpu.SemaphoreType.DMA,
        ],
    )
    def k(table_hbm, idx_hbm, out_hbm, idx_v, buf0, buf1, table_sp, g0, g1, s0, s1):
        sid = lax.axis_index("s")
        wid = sid * _NC + lax.axis_index("c")
        base = wid * b_per_w
        idx_load = pltpu.async_copy(idx_hbm.at[pl.ds(base, b_per_w)], idx_v, g0)

        @pl.when(sid < loaders)
        def _():
            row0 = sid * rows_per_loader
            pltpu.sync_copy(
                table_hbm.at[pl.ds(row0, rows_per_loader)],
                table_sp.at[pl.ds(row0, rows_per_loader)],
            )

        plsc.subcore_barrier()
        idx_load.wait()

        bufs, gsems, ssems = (buf0, buf1), (g0, g1), (s0, s1)
        gathers = [None, None]
        stores = [None, None]
        gathers[0] = pltpu.async_copy(
            table_sp.at[idx_v.at[pl.ds(0, chunk)]], bufs[0], gsems[0]
        )
        for c in range(n_chunks):
            cur = c % 2
            nxt = (c + 1) % 2
            gathers[cur].wait()
            if c + 1 < n_chunks:
                if stores[nxt] is not None:
                    stores[nxt].wait()
                gathers[nxt] = pltpu.async_copy(
                    table_sp.at[idx_v.at[pl.ds((c + 1) * chunk, chunk)]],
                    bufs[nxt],
                    gsems[nxt],
                )
            stores[cur] = pltpu.async_copy(
                bufs[cur], out_hbm.at[pl.ds(base + c * chunk, chunk)], ssems[cur]
            )
        stores[0].wait()
        stores[1].wait()

    return k(table, idx)


def kernel(x, word2sememe, lut_weight):
    Bx, Lx = x.shape
    table, idx = _build_table(word2sememe, lut_weight, x.T)
    flat = _sc_gather(table, idx)
    return flat.reshape(Lx, Bx, D_MODEL).transpose(1, 0, 2)

# --- scband reference (transcript-rebuilt; emitter-appended) ---
"""Pipeline reference for scband-sememe-embeddings-20280835571792 (READ-ONLY COPY).

The authoritative reference and input builder live on the scoring server;
editing this copy changes nothing except your own understanding.
"""

import jax, jax.numpy as jnp
import numpy as np
import math

VOCAB = 1000
SEMEME_SIZE = 2048
D_MODEL = 128
B = 1024
L = 20

def setup_inputs(seed: int = 0) -> dict:
    key = jax.random.key(seed)
    k1, k2, k3 = jax.random.split(key, 3)
    x = jax.random.randint(k1, (B, L), 0, VOCAB, dtype=jnp.int32)
    # word2sememe: static multi-hot matrix mapping each word id to its sememes
    # (~10 sememes per word on average, mimicking HowNet annotations)
    word2sememe = (jax.random.uniform(k2, (VOCAB, SEMEME_SIZE)) < 0.005).astype(jnp.float32)
    # nn.Embedding(sememe_size, d_model) weight
    lut_weight = jax.random.normal(k3, (SEMEME_SIZE, D_MODEL), dtype=jnp.float32)
    return {"x": x, "word2sememe": word2sememe, "lut_weight": lut_weight}

def reference(x, word2sememe, lut_weight):
    Bx, Lx = x.shape
    # self.word2sememe[x.reshape(-1)].reshape([B, L, -1])  -> row gather
    sememe_onehot = jnp.take(word2sememe, x.reshape(-1), axis=0).reshape(Bx, Lx, -1)
    scalar = sememe_onehot.sum(axis=2) + 1e-06
    # onehot.matmul(lut.weight)
    sememe_embed = jnp.matmul(sememe_onehot, lut_weight)
    return sememe_embed * math.sqrt(D_MODEL) / scalar[:, :, None]

if __name__ == "__main__":
    import jax
    _d = setup_inputs()
    print(jax.jit(kernel)(*tuple(_d.values())))

</pallas_src>

<mosaic_0001>
#map = affine_map<(d0, d1) -> (0, 0)>
#map1 = affine_map<(d0, d1) -> (0)>
module attributes {stable_mosaic.version = 14 : i64} {
  func.func @k(%arg0: i32, %arg1: i32, %arg2: memref<1000x128xf32, #tpu.memory_space<hbm>>, %arg3: memref<20480xi32, #tpu.memory_space<hbm>>, %arg4: memref<20480x128xf32, #tpu.memory_space<hbm>>, %arg5: memref<640xi32, #tpu.memory_space<vmem>>, %arg6: memref<160x128xf32, #tpu.memory_space<vmem>>, %arg7: memref<160x128xf32, #tpu.memory_space<vmem>>, %arg8: memref<1000x128xf32, #tpu.memory_space<vmem_shared>>, %arg9: memref<!tpu.dma_semaphore, #tpu.memory_space<semaphore_mem>>, %arg10: memref<!tpu.dma_semaphore, #tpu.memory_space<semaphore_mem>>, %arg11: memref<!tpu.dma_semaphore, #tpu.memory_space<semaphore_mem>>, %arg12: memref<!tpu.dma_semaphore, #tpu.memory_space<semaphore_mem>>) attributes {dimension_semantics = [#tpu.dimension_semantics<core_parallel>, #tpu.dimension_semantics<subcore_parallel>], iteration_bounds = array<i64: 2, 16>, scalar_prefetch = 0 : i64, scratch_operands = 8 : i64, tpu.core_type = #tpu.core_type<sc_vector_subcore>, window_params = [{transform_indices = #map}, {transform_indices = #map1}, {transform_indices = #map}]} {
    %mul3A = arith.constant 2 : i32
    %mul3A_0 = arith.muli %arg1, %mul3A : i32
    %add3A = arith.addi %mul3A_0, %arg0 : i32
    %mul3A_1 = arith.constant 640 : i32
    %mul3A_2 = arith.muli %add3A, %mul3A_1 : i32
    %dma_start3A = tpu.memref_slice %arg3[%mul3A_2] : memref<20480xi32, #tpu.memory_space<hbm>> -> memref<640xi32, #tpu.memory_space<hbm>>
    %dma_start3A_3 = tpu.memref_slice %arg3[%mul3A_2] : memref<20480xi32, #tpu.memory_space<hbm>> -> memref<640xi32, #tpu.memory_space<hbm>>
    tpu.enqueue_dma source(%dma_start3A_3 : memref<640xi32, #tpu.memory_space<hbm>>) target(%arg5 : memref<640xi32, #tpu.memory_space<vmem>>) target_semaphore(%arg9 : memref<!tpu.dma_semaphore, #tpu.memory_space<semaphore_mem>>)
    %lt3A = arith.constant 5 : i32
    %lt3A_4 = arith.cmpi slt, %arg1, %lt3A : i32
    %convert_element_type3A = arith.extui %lt3A_4 : i1 to i32
    %cond3A = arith.constant 0 : i32
    %cond3A_5 = arith.cmpi ne, %convert_element_type3A, %cond3A : i32
    scf.if %cond3A_5 {
      %mul3A_87 = arith.constant 200 : i32
      %mul3A_88 = arith.muli %arg1, %mul3A_87 : i32
      "tpu.region"() ({
        %run_scoped3A = tpu.sem_alloc : memref<!tpu.dma_semaphore, #tpu.memory_space<semaphore_mem>>
        %dma_start3A_89 = arith.constant 0 : i32
        %dma_start3A_90 = tpu.memref_slice %arg8[%mul3A_88, %dma_start3A_89] : memref<1000x128xf32, #tpu.memory_space<vmem_shared>> -> memref<200x128xf32, #tpu.memory_space<vmem_shared>>
        %dma_start3A_91 = arith.constant 0 : i32
        %dma_start3A_92 = tpu.memref_slice %arg2[%mul3A_88, %dma_start3A_91] : memref<1000x128xf32, #tpu.memory_space<hbm>> -> memref<200x128xf32, #tpu.memory_space<hbm>>
        tpu.enqueue_dma source(%dma_start3A_92 : memref<200x128xf32, #tpu.memory_space<hbm>>) target(%dma_start3A_90 : memref<200x128xf32, #tpu.memory_space<vmem_shared>>) target_semaphore(%run_scoped3A : memref<!tpu.dma_semaphore, #tpu.memory_space<semaphore_mem>>)
        %dma_wait3A_93 = arith.constant 0 : i32
        %dma_wait3A_94 = tpu.memref_slice %arg8[%mul3A_88, %dma_wait3A_93] : memref<1000x128xf32, #tpu.memory_space<vmem_shared>> -> memref<200x128xf32, #tpu.memory_space<vmem_shared>>
        %dma_wait3A_95 = arith.constant 0 : i32
        %dma_wait3A_96 = tpu.memref_slice %arg2[%mul3A_88, %dma_wait3A_95] : memref<1000x128xf32, #tpu.memory_space<hbm>> -> memref<200x128xf32, #tpu.memory_space<hbm>>
        tpu.wait_dma2 semaphore(%run_scoped3A : memref<!tpu.dma_semaphore, #tpu.memory_space<semaphore_mem>>) src(%dma_wait3A_96 : memref<200x128xf32, #tpu.memory_space<hbm>>) dst(%dma_wait3A_94 : memref<200x128xf32, #tpu.memory_space<vmem_shared>>)
        tpu.yield
      }) : () -> ()
    } else {
    }
    %barrier3A = arith.constant 0 : index
    tpu.barrier barrier_id(%barrier3A)
    %dma_wait3A = tpu.memref_slice %arg3[%mul3A_2] : memref<20480xi32, #tpu.memory_space<hbm>> -> memref<640xi32, #tpu.memory_space<hbm>>
    %dma_wait3A_6 = tpu.memref_slice %arg3[%mul3A_2] : memref<20480xi32, #tpu.memory_space<hbm>> -> memref<640xi32, #tpu.memory_space<hbm>>
    tpu.wait_dma2 semaphore(%arg9 : memref<!tpu.dma_semaphore, #tpu.memory_space<semaphore_mem>>) src(%dma_wait3A_6 : memref<640xi32, #tpu.memory_space<hbm>>) dst(%arg5 : memref<640xi32, #tpu.memory_space<vmem>>)
    %dma_start3A_7 = arith.constant 0 : i32
    %dma_start3A_8 = tpu.memref_slice %arg5[%dma_start3A_7] : memref<640xi32, #tpu.memory_space<vmem>> -> memref<160xi32, #tpu.memory_space<vmem>>
    %dma_start3A_9 = arith.constant 0 : i32
    %dma_start3A_10 = arith.constant 0 : i32
    %dma_start3A_11 = tpu.memref_slice %arg8[%dma_start3A_9, %dma_start3A_10] : memref<1000x128xf32, #tpu.memory_space<vmem_shared>> -> memref<1000x128xf32, #tpu.memory_space<vmem_shared>>
    tpu.enqueue_indirect_dma source(%dma_start3A_11 : memref<1000x128xf32, #tpu.memory_space<vmem_shared>>) target(%arg6 : memref<160x128xf32, #tpu.memory_space<vmem>>) offsets(%dma_start3A_8 : memref<160xi32, #tpu.memory_space<vmem>>) semaphore(%arg9 : memref<!tpu.dma_semaphore, #tpu.memory_space<semaphore_mem>>)
    %dma_wait3A_12 = arith.constant 0 : i32
    %dma_wait3A_13 = tpu.memref_slice %arg5[%dma_wait3A_12] : memref<640xi32, #tpu.memory_space<vmem>> -> memref<160xi32, #tpu.memory_space<vmem>>
    %dma_wait3A_14 = arith.constant 0 : i32
    %dma_wait3A_15 = arith.constant 0 : i32
    %dma_wait3A_16 = tpu.memref_slice %arg8[%dma_wait3A_14, %dma_wait3A_15] : memref<1000x128xf32, #tpu.memory_space<vmem_shared>> -> memref<1000x128xf32, #tpu.memory_space<vmem_shared>>
    tpu.wait_indirect_dma semaphore(%arg9 : memref<!tpu.dma_semaphore, #tpu.memory_space<semaphore_mem>>) src(%dma_wait3A_16 : memref<1000x128xf32, #tpu.memory_space<vmem_shared>>) dst(%arg6 : memref<160x128xf32, #tpu.memory_space<vmem>>)
    %dma_start3A_17 = arith.constant 160 : i32
    %dma_start3A_18 = tpu.memref_slice %arg5[%dma_start3A_17] : memref<640xi32, #tpu.memory_space<vmem>> -> memref<160xi32, #tpu.memory_space<vmem>>
    %dma_start3A_19 = arith.constant 0 : i32
    %dma_start3A_20 = arith.constant 0 : i32
    %dma_start3A_21 = tpu.memref_slice %arg8[%dma_start3A_19, %dma_start3A_20] : memref<1000x128xf32, #tpu.memory_space<vmem_shared>> -> memref<1000x128xf32, #tpu.memory_space<vmem_shared>>
    tpu.enqueue_indirect_dma source(%dma_start3A_21 : memref<1000x128xf32, #tpu.memory_space<vmem_shared>>) target(%arg7 : memref<160x128xf32, #tpu.memory_space<vmem>>) offsets(%dma_start3A_18 : memref<160xi32, #tpu.memory_space<vmem>>) semaphore(%arg10 : memref<!tpu.dma_semaphore, #tpu.memory_space<semaphore_mem>>)
    %add3A_22 = arith.constant 0 : i32
    %add3A_23 = arith.addi %mul3A_2, %add3A_22 : i32
    %dma_start3A_24 = arith.constant 0 : i32
    %dma_start3A_25 = tpu.memref_slice %arg4[%add3A_23, %dma_start3A_24] : memref<20480x128xf32, #tpu.memory_space<hbm>> -> memref<160x128xf32, #tpu.memory_space<hbm>>
    %dma_start3A_26 = arith.constant 0 : i32
    %dma_start3A_27 = tpu.memref_slice %arg4[%add3A_23, %dma_start3A_26] : memref<20480x128xf32, #tpu.memory_space<hbm>> -> memref<160x128xf32, #tpu.memory_space<hbm>>
    tpu.enqueue_dma source(%arg6 : memref<160x128xf32, #tpu.memory_space<vmem>>) target(%dma_start3A_27 : memref<160x128xf32, #tpu.memory_space<hbm>>) target_semaphore(%arg11 : memref<!tpu.dma_semaphore, #tpu.memory_space<semaphore_mem>>)
    %dma_wait3A_28 = arith.constant 160 : i32
    %dma_wait3A_29 = tpu.memref_slice %arg5[%dma_wait3A_28] : memref<640xi32, #tpu.memory_space<vmem>> -> memref<160xi32, #tpu.memory_space<vmem>>
    %dma_wait3A_30 = arith.constant 0 : i32
    %dma_wait3A_31 = arith.constant 0 : i32
    %dma_wait3A_32 = tpu.memref_slice %arg8[%dma_wait3A_30, %dma_wait3A_31] : memref<1000x128xf32, #tpu.memory_space<vmem_shared>> -> memref<1000x128xf32, #tpu.memory_space<vmem_shared>>
    tpu.wait_indirect_dma semaphore(%arg10 : memref<!tpu.dma_semaphore, #tpu.memory_space<semaphore_mem>>) src(%dma_wait3A_32 : memref<1000x128xf32, #tpu.memory_space<vmem_shared>>) dst(%arg7 : memref<160x128xf32, #tpu.memory_space<vmem>>)
    %dma_wait3A_33 = arith.constant 0 : i32
    %dma_wait3A_34 = tpu.memref_slice %arg4[%add3A_23, %dma_wait3A_33] : memref<20480x128xf32, #tpu.memory_space<hbm>> -> memref<160x128xf32, #tpu.memory_space<hbm>>
    %dma_wait3A_35 = arith.constant 0 : i32
    %dma_wait3A_36 = tpu.memref_slice %arg4[%add3A_23, %dma_wait3A_35] : memref<20480x128xf32, #tpu.memory_space<hbm>> -> memref<160x128xf32, #tpu.memory_space<hbm>>
    tpu.wait_dma2 semaphore(%arg11 : memref<!tpu.dma_semaphore, #tpu.memory_space<semaphore_mem>>) src(%arg6 : memref<160x128xf32, #tpu.memory_space<vmem>>) dst(%dma_wait3A_36 : memref<160x128xf32, #tpu.memory_space<hbm>>)
    %dma_start3A_37 = arith.constant 320 : i32
    %dma_start3A_38 = tpu.memref_slice %arg5[%dma_start3A_37] : memref<640xi32, #tpu.memory_space<vmem>> -> memref<160xi32, #tpu.memory_space<vmem>>
    %dma_start3A_39 = arith.constant 0 : i32
    %dma_start3A_40 = arith.constant 0 : i32
    %dma_start3A_41 = tpu.memref_slice %arg8[%dma_start3A_39, %dma_start3A_40] : memref<1000x128xf32, #tpu.memory_space<vmem_shared>> -> memref<1000x128xf32, #tpu.memory_space<vmem_shared>>
    tpu.enqueue_indirect_dma source(%dma_start3A_41 : memref<1000x128xf32, #tpu.memory_space<vmem_shared>>) target(%arg6 : memref<160x128xf32, #tpu.memory_space<vmem>>) offsets(%dma_start3A_38 : memref<160xi32, #tpu.memory_space<vmem>>) semaphore(%arg9 : memref<!tpu.dma_semaphore, #tpu.memory_space<semaphore_mem>>)
    %add3A_42 = arith.constant 160 : i32
    %add3A_43 = arith.addi %mul3A_2, %add3A_42 : i32
    %dma_start3A_44 = arith.constant 0 : i32
    %dma_start3A_45 = tpu.memref_slice %arg4[%add3A_43, %dma_start3A_44] : memref<20480x128xf32, #tpu.memory_space<hbm>> -> memref<160x128xf32, #tpu.memory_space<hbm>>
    %dma_start3A_46 = arith.constant 0 : i32
    %dma_start3A_47 = tpu.memref_slice %arg4[%add3A_43, %dma_start3A_46] : memref<20480x128xf32, #tpu.memory_space<hbm>> -> memref<160x128xf32, #tpu.memory_space<hbm>>
    tpu.enqueue_dma source(%arg7 : memref<160x128xf32, #tpu.memory_space<vmem>>) target(%dma_start3A_47 : memref<160x128xf32, #tpu.memory_space<hbm>>) target_semaphore(%arg12 : memref<!tpu.dma_semaphore, #tpu.memory_space<semaphore_mem>>)
    %dma_wait3A_48 = arith.constant 320 : i32
    %dma_wait3A_49 = tpu.memref_slice %arg5[%dma_wait3A_48] : memref<640xi32, #tpu.memory_space<vmem>> -> memref<160xi32, #tpu.memory_space<vmem>>
    %dma_wait3A_50 = arith.constant 0 : i32
    %dma_wait3A_51 = arith.constant 0 : i32
    %dma_wait3A_52 = tpu.memref_slice %arg8[%dma_wait3A_50, %dma_wait3A_51] : memref<1000x128xf32, #tpu.memory_space<vmem_shared>> -> memref<1000x128xf32, #tpu.memory_space<vmem_shared>>
    tpu.wait_indirect_dma semaphore(%arg9 : memref<!tpu.dma_semaphore, #tpu.memory_space<semaphore_mem>>) src(%dma_wait3A_52 : memref<1000x128xf32, #tpu.memory_space<vmem_shared>>) dst(%arg6 : memref<160x128xf32, #tpu.memory_space<vmem>>)
    %dma_wait3A_53 = arith.constant 0 : i32
    %dma_wait3A_54 = tpu.memref_slice %arg4[%add3A_43, %dma_wait3A_53] : memref<20480x128xf32, #tpu.memory_space<hbm>> -> memref<160x128xf32, #tpu.memory_space<hbm>>
    %dma_wait3A_55 = arith.constant 0 : i32
    %dma_wait3A_56 = tpu.memref_slice %arg4[%add3A_43, %dma_wait3A_55] : memref<20480x128xf32, #tpu.memory_space<hbm>> -> memref<160x128xf32, #tpu.memory_space<hbm>>
    tpu.wait_dma2 semaphore(%arg12 : memref<!tpu.dma_semaphore, #tpu.memory_space<semaphore_mem>>) src(%arg7 : memref<160x128xf32, #tpu.memory_space<vmem>>) dst(%dma_wait3A_56 : memref<160x128xf32, #tpu.memory_space<hbm>>)
    %dma_start3A_57 = arith.constant 480 : i32
    %dma_start3A_58 = tpu.memref_slice %arg5[%dma_start3A_57] : memref<640xi32, #tpu.memory_space<vmem>> -> memref<160xi32, #tpu.memory_space<vmem>>
    %dma_start3A_59 = arith.constant 0 : i32
    %dma_start3A_60 = arith.constant 0 : i32
    %dma_start3A_61 = tpu.memref_slice %arg8[%dma_start3A_59, %dma_start3A_60] : memref<1000x128xf32, #tpu.memory_space<vmem_shared>> -> memref<1000x128xf32, #tpu.memory_space<vmem_shared>>
    tpu.enqueue_indirect_dma source(%dma_start3A_61 : memref<1000x128xf32, #tpu.memory_space<vmem_shared>>) target(%arg7 : memref<160x128xf32, #tpu.memory_space<vmem>>) offsets(%dma_start3A_58 : memref<160xi32, #tpu.memory_space<vmem>>) semaphore(%arg10 : memref<!tpu.dma_semaphore, #tpu.memory_space<semaphore_mem>>)
    %add3A_62 = arith.constant 320 : i32
    %add3A_63 = arith.addi %mul3A_2, %add3A_62 : i32
    %dma_start3A_64 = arith.constant 0 : i32
    %dma_start3A_65 = tpu.memref_slice %arg4[%add3A_63, %dma_start3A_64] : memref<20480x128xf32, #tpu.memory_space<hbm>> -> memref<160x128xf32, #tpu.memory_space<hbm>>
    %dma_start3A_66 = arith.constant 0 : i32
    %dma_start3A_67 = tpu.memref_slice %arg4[%add3A_63, %dma_start3A_66] : memref<20480x128xf32, #tpu.memory_space<hbm>> -> memref<160x128xf32, #tpu.memory_space<hbm>>
    tpu.enqueue_dma source(%arg6 : memref<160x128xf32, #tpu.memory_space<vmem>>) target(%dma_start3A_67 : memref<160x128xf32, #tpu.memory_space<hbm>>) target_semaphore(%arg11 : memref<!tpu.dma_semaphore, #tpu.memory_space<semaphore_mem>>)
    %dma_wait3A_68 = arith.constant 480 : i32
    %dma_wait3A_69 = tpu.memref_slice %arg5[%dma_wait3A_68] : memref<640xi32, #tpu.memory_space<vmem>> -> memref<160xi32, #tpu.memory_space<vmem>>
    %dma_wait3A_70 = arith.constant 0 : i32
    %dma_wait3A_71 = arith.constant 0 : i32
    %dma_wait3A_72 = tpu.memref_slice %arg8[%dma_wait3A_70, %dma_wait3A_71] : memref<1000x128xf32, #tpu.memory_space<vmem_shared>> -> memref<1000x128xf32, #tpu.memory_space<vmem_shared>>
    tpu.wait_indirect_dma semaphore(%arg10 : memref<!tpu.dma_semaphore, #tpu.memory_space<semaphore_mem>>) src(%dma_wait3A_72 : memref<1000x128xf32, #tpu.memory_space<vmem_shared>>) dst(%arg7 : memref<160x128xf32, #tpu.memory_space<vmem>>)
    %add3A_73 = arith.constant 480 : i32
    %add3A_74 = arith.addi %mul3A_2, %add3A_73 : i32
    %dma_start3A_75 = arith.constant 0 : i32
    %dma_start3A_76 = tpu.memref_slice %arg4[%add3A_74, %dma_start3A_75] : memref<20480x128xf32, #tpu.memory_space<hbm>> -> memref<160x128xf32, #tpu.memory_space<hbm>>
    %dma_start3A_77 = arith.constant 0 : i32
    %dma_start3A_78 = tpu.memref_slice %arg4[%add3A_74, %dma_start3A_77] : memref<20480x128xf32, #tpu.memory_space<hbm>> -> memref<160x128xf32, #tpu.memory_space<hbm>>
    tpu.enqueue_dma source(%arg7 : memref<160x128xf32, #tpu.memory_space<vmem>>) target(%dma_start3A_78 : memref<160x128xf32, #tpu.memory_space<hbm>>) target_semaphore(%arg12 : memref<!tpu.dma_semaphore, #tpu.memory_space<semaphore_mem>>)
    %dma_wait3A_79 = arith.constant 0 : i32
    %dma_wait3A_80 = tpu.memref_slice %arg4[%add3A_63, %dma_wait3A_79] : memref<20480x128xf32, #tpu.memory_space<hbm>> -> memref<160x128xf32, #tpu.memory_space<hbm>>
    %dma_wait3A_81 = arith.constant 0 : i32
    %dma_wait3A_82 = tpu.memref_slice %arg4[%add3A_63, %dma_wait3A_81] : memref<20480x128xf32, #tpu.memory_space<hbm>> -> memref<160x128xf32, #tpu.memory_space<hbm>>
    tpu.wait_dma2 semaphore(%arg11 : memref<!tpu.dma_semaphore, #tpu.memory_space<semaphore_mem>>) src(%arg6 : memref<160x128xf32, #tpu.memory_space<vmem>>) dst(%dma_wait3A_82 : memref<160x128xf32, #tpu.memory_space<hbm>>)
    %dma_wait3A_83 = arith.constant 0 : i32
    %dma_wait3A_84 = tpu.memref_slice %arg4[%add3A_74, %dma_wait3A_83] : memref<20480x128xf32, #tpu.memory_space<hbm>> -> memref<160x128xf32, #tpu.memory_space<hbm>>
    %dma_wait3A_85 = arith.constant 0 : i32
    %dma_wait3A_86 = tpu.memref_slice %arg4[%add3A_74, %dma_wait3A_85] : memref<20480x128xf32, #tpu.memory_space<hbm>> -> memref<160x128xf32, #tpu.memory_space<hbm>>
    tpu.wait_dma2 semaphore(%arg12 : memref<!tpu.dma_semaphore, #tpu.memory_space<semaphore_mem>>) src(%arg7 : memref<160x128xf32, #tpu.memory_space<vmem>>) dst(%dma_wait3A_86 : memref<160x128xf32, #tpu.memory_space<hbm>>)
    return
  }
}

module attributes {stable_mosaic.version = 14 : i64} {
  func.func @_table_body(%arg0: memref<1000x2048xf32, #tpu.memory_space<vmem>>, %arg1: memref<2048x128xf32, #tpu.memory_space<vmem>>, %arg2: memref<20x1024xi32, #tpu.memory_space<vmem>>, %arg3: memref<1000x128xf32, #tpu.memory_space<vmem>>, %arg4: memref<20480xi32, #tpu.memory_space<vmem>>) attributes {dimension_semantics = [], scalar_prefetch = 0 : i64, scratch_operands = 0 : i64, tpu.core_type = #tpu.core_type<tc>} {
    %get3A = arith.constant 0 : index
    %get3A_0 = arith.constant 0 : index
    %get3A_1 = vector.load %arg0[%get3A, %get3A_0] : memref<1000x2048xf32, #tpu.memory_space<vmem>>, vector<1000x2048xf32>
    %reduce_sum3A = arith.constant dense<0.000000e+00> : vector<1000xf32>
    %reduce_sum3A_2 = vector.multi_reduction <add>, %get3A_1, %reduce_sum3A [1] : vector<1000x2048xf32> to vector<1000xf32>
    %broadcast_in_dim3A = vector.shape_cast %reduce_sum3A_2 : vector<1000xf32> to vector<1000x1xf32>
    %add3A = arith.constant 9.99999997E-7 : f32
    %add3A_3 = vector.broadcast %add3A : f32 to vector<1000x1xf32>
    %add3A_4 = arith.addf %broadcast_in_dim3A, %add3A_3 : vector<1000x1xf32>
    %get3A_5 = arith.constant 0 : index
    %get3A_6 = arith.constant 0 : index
    %get3A_7 = vector.load %arg1[%get3A_5, %get3A_6] : memref<2048x128xf32, #tpu.memory_space<vmem>>, vector<2048x128xf32>
    %dot_general3A = arith.constant dense<0.000000e+00> : vector<1000x128xf32>
    %dot_general3A_8 = tpu.matmul %get3A_1, %get3A_7, %dot_general3A {dimension_numbers = #tpu.dot_dimension_numbers<[1], [0], [0], [1], [0, 0, 1, 1], [], []>, transpose_lhs_hint = false} : vector<1000x2048xf32>, vector<2048x128xf32>, vector<1000x128xf32> -> vector<1000x128xf32>
    %div3A = arith.constant 11.3137083 : f32
    %div3A_9 = vector.broadcast %div3A : f32 to vector<1000x1xf32>
    %div3A_10 = arith.divf %div3A_9, %add3A_4 : vector<1000x1xf32>
    %mul3A = vector.broadcast %div3A_10 : vector<1000x1xf32> to vector<1000x128xf32>
    %mul3A_11 = arith.mulf %dot_general3A_8, %mul3A : vector<1000x128xf32>
    %swap3A = arith.constant 0 : index
    %swap3A_12 = arith.constant 0 : index
    %swap3A_13 = vector.load %arg3[%swap3A, %swap3A_12] : memref<1000x128xf32, #tpu.memory_space<vmem>>, vector<1000x128xf32>
    tpu.vector_store %arg3[%swap3A, %swap3A_12], %mul3A_11 {strides = array<i32>} : memref<1000x128xf32, #tpu.memory_space<vmem>>, vector<1000x128xf32>,
    %get3A_14 = arith.constant 0 : index
    %get3A_15 = arith.constant 0 : index
    %get3A_16 = vector.load %arg2[%get3A_14, %get3A_15] : memref<20x1024xi32, #tpu.memory_space<vmem>>, vector<20x1024xi32>
    %reshape3A = vector.shape_cast %get3A_16 : vector<20x1024xi32> to vector<20480xi32>
    %swap3A_17 = arith.constant 0 : index
    %swap3A_18 = vector.load %arg4[%swap3A_17] : memref<20480xi32, #tpu.memory_space<vmem>>, vector<20480xi32>
    tpu.vector_store %arg4[%swap3A_17], %reshape3A {strides = array<i32>} : memref<20480xi32, #tpu.memory_space<vmem>>, vector<20480xi32>,
    return
  }
}

</mosaic_0001>

<sc_bundles>
// kernel: kernel.4.cloned.1.call-start
scs
__scs_entry_jumppad:
0x0: {  	(pc) =	sbr.rel $0x88, $3  }
0x1: {  	(tag) =	ssettag $0x0;
	lr =	simm.s32 $0x1  }
0x2: {  	[smem:$0x3F9E] =	sst lr;
	_ =	strace $0xD0000000  }
0x3: {  	_ = 	snop  }
0x4: {  	_ = 	snop  }
0x5: {  	_ = 	snop  }
0x6: {  	_ = 	snop  }
0x7: {  	_ = 	snop  }
__scs_overlays_trampoline_lowered:
0x8: {  	[smem:$0x3FAD] =	sst s0  }
0x9: {  	[smem:$0x3FAE] =	sst s1  }
0xa: {  	[smem:$0x3FAF] =	sst s2  }
0xb: {  	[smem:$0x3FB0] =	sst s3  }
0xc: {  	[smem:$0x3FB1] =	sst s4  }
0xd: {  	[smem:$0x3FB2] =	sst s5  }
0xe: {  	[smem:$0x3FB3] =	sst s6  }
0xf: {  	[smem:$0x3FB4] =	sst s7  }
0x10: {  	[smem:$0x3FB5] =	sst s8  }
0x11: {  	[smem:$0x3FB6] =	sst s9;
	s0 =	simm.s32 @!p0 $0x0  }
0x12: {  	s1 =	sld [smem:$0x3F9C];
	s0 =	simm.s32 @p0 $0x1  }
0x13: {  	[smem:$0x3FB7] =	sst s0;
	s0 =	simm.s32 @!p1 $0x0  }
0x14: {  	s2 =	sld [smem:$0x3F9B];
	s0 =	simm.s32 @p1 $0x1  }
0x15: {  	[smem:$0x3FB8] =	sst s0;
	s0 =	simm.s32 @!p2 $0x0  }
0x16: {  	s3 =	sld [smem:$0x3FDB];
	s0 =	simm.s32 @p2 $0x1  }
0x17: {  	s4 =	simm.s32 $0x1BF5;
	[smem:$0x3FBA] =	sst s0  }
0x18: {  	s0 =	sld [smem:$0x3F9D];
	_ =	swait.ge [sflag:s4], $0x0  }
0x19: {  	s7 =	sld [smem:$0x3F9E]  }
0x1a: {  	s8 =	sadd.s32 $0xFFFFE003, lr  }
0x1b: {  	s9 =	sadd.s32 $0xFFFFFEF7, lr;
	s5 =	simm.s32 $0xFFFFFFFF;
	p2 =	slt.u32 s8, $0xFFFFF086  }
0x1c: {  	p1 =	slt.u32 s9, $0xF7A;
	s5 =	simm.s32 @!p2 $0x0  }
0x1d: {  	s5 =	simm.s32 @p1 $0x1;
	p0 =	seq.s32 s7, s2  }
0x1e: {  	s7 =	smul.u32 @!p0 $0xF7A, s2;
	p2 =	seq.s32 @!p0 s5, $0x0  }
0x1f: {  	s9 =	smul.u32 $0xF7A, s1;
	s8 =	simm.s32 @!p0 $0x1BF5;
	p2 =	por !p2, p0  }
0x20: {  	[sflag:s8] =	ssyncset.s32 @!p0 $0xFFFFF086;
	s6 =	sadd.s32 @!p0 s3, s7;
	s7 =	simm.s32 @!p0 $0x108  }
0x21: {  	s3 =	sadd.s32 s3, s9;
	s6 =	sadd.s32 @!p0 $0x88, s6;
	s7 =	simm.s32 @p2 $0x1082  }
0x22: {  	[simem:s7], [sflag:s8] =	dma.local @!p0 [hbm:s6], $0xF7A  }
0x23: {  	s9 =	sor.u32 $0xD0000000, s2;
	s6 =	simm.s32 $0x108;
	_ =	swait.ge @!p0 [sflag:s8], $0x0  }
0x24: {  	s3 =	sadd.s32 $0x88, s3;
	s6 =	simm.s32 @!p1 $0x1082;
	[sflag:s4] =	ssyncset.s32 $0xFFFFF086  }
0x25: {  	[simem:s6], [sflag:s4] =	dma.local [hbm:s3], $0xF7A  }
0x26: {  	[smem:$0x3F9E] =	sst s1;
	(tag) =	ssettag s2;
	_ =	strace s9  }
0x27: {  	s1 =	sld [smem:$0x3FAE]  }
0x28: {  	s2 =	sld [smem:$0x3FAF]  }
0x29: {  	s4 =	sld [smem:$0x3FB1]  }
0x2a: {  	p0 =	seq.s32 s5, $0x0;
	s5 =	sld [smem:$0x3FB2]  }
0x2b: {  	s6 =	sld [smem:$0x3FB3]  }
0x2c: {  	s7 =	sld [smem:$0x3FB4]  }
0x2d: {  	s3 =	simm.s32 $0x108;
	s8 =	sld [smem:$0x3FB5]  }
0x2e: {  	s3 =	simm.s32 @!p0 $0x1082;
	s9 =	sld [smem:$0x3FB6]  }
0x2f: {  	lr =	sadd.s32 s0, s3;
	s0 =	sld [smem:$0x3FAD]  }
0x30: {  	s3 =	sld [smem:$0x3FB0]  }
0x31: {  	[smem:$0x3FB9] =	sst s10  }
0x32: {  	s10 =	sld [smem:$0x3FB7];
	_ =	sdelay $0x3  }
0x33: {  	p0 =	seq.s32 s10, $0x1;
	s10 =	sld [smem:$0x3FB9];
	_ =	sdelay $0x3  }
0x34: {  	[smem:$0x3FB9] =	sst s10  }
0x35: {  	s10 =	sld [smem:$0x3FB8];
	_ =	sdelay $0x3  }
0x36: {  	p1 =	seq.s32 s10, $0x1;
	s10 =	sld [smem:$0x3FB9];
	_ =	sdelay $0x3  }
0x37: {  	[smem:$0x3FB9] =	sst s10  }
0x38: {  	s10 =	sld [smem:$0x3FBA]  }
0x39: {  	_ = 	snop;
	(pc) =	sbr.ind lr, $3  }
0x3a: {  	_ = 	snop  }
0x3b: {  	_ = 	snop  }
0x3c: {  	p2 =	seq.s32 s10, $0x1;
	s10 =	sld [smem:$0x3FB9]  }
0x3d: {  	_ =	shalt  }
0x3e: {  	_ =	shalt  }
0x3f: {  	_ =	shalt  }
0x40: {  	_ =	shalt  }
0x41: {  	_ =	shalt  }
0x42: {  	_ =	shalt  }
0x43: {  	_ =	shalt  }
0x44: {  	_ =	shalt  }
0x45: {  	_ =	shalt  }
0x46: {  	_ =	shalt  }
0x47: {  	_ =	shalt  }
0x48: {  	_ =	shalt  }
0x49: {  	_ =	shalt  }
0x4a: {  	_ =	shalt  }
0x4b: {  	_ =	shalt  }
0x4c: {  	_ =	shalt  }
0x4d: {  	_ =	shalt  }
0x4e: {  	_ =	shalt  }
0x4f: {  	_ =	shalt  }
0x50: {  	_ =	shalt  }
0x51: {  	_ =	shalt  }
0x52: {  	_ =	shalt  }
0x53: {  	_ =	shalt  }
0x54: {  	_ =	shalt  }
0x55: {  	_ =	shalt  }
0x56: {  	_ =	shalt  }
0x57: {  	_ =	shalt  }
0x58: {  	_ =	shalt  }
0x59: {  	_ =	shalt  }
0x5a: {  	_ =	shalt  }
0x5b: {  	_ =	shalt  }
0x5c: {  	_ =	shalt  }
0x5d: {  	_ =	shalt  }
0x5e: {  	_ =	shalt  }
0x5f: {  	_ =	shalt  }
0x60: {  	_ =	shalt  }
0x61: {  	_ =	shalt  }
0x62: {  	_ =	shalt  }
0x63: {  	_ =	shalt  }
0x64: {  	_ =	shalt  }
0x65: {  	_ =	shalt  }
0x66: {  	_ =	shalt  }
0x67: {  	_ =	shalt  }
0x68: {  	_ =	shalt  }
0x69: {  	_ =	shalt  }
0x6a: {  	_ =	shalt  }
0x6b: {  	_ =	shalt  }
0x6c: {  	_ =	shalt  }
0x6d: {  	_ =	shalt  }
0x6e: {  	_ =	shalt  }
0x6f: {  	_ =	shalt  }
0x70: {  	_ =	shalt  }
0x71: {  	_ =	shalt  }
0x72: {  	_ =	shalt  }
0x73: {  	_ =	shalt  }
0x74: {  	_ =	shalt  }
0x75: {  	_ =	shalt  }
0x76: {  	_ =	shalt  }
0x77: {  	_ =	shalt  }
0x78: {  	_ =	shalt  }
0x79: {  	_ =	shalt  }
0x7a: {  	_ =	shalt  }
0x7b: {  	_ =	shalt  }
0x7c: {  	_ =	shalt  }
0x7d: {  	_ =	shalt  }
0x7e: {  	_ =	shalt  }
0x7f: {  	_ =	shalt  }
0x80: {  	_ =	shalt  }
0x81: {  	_ =	shalt  }
0x82: {  	_ =	shalt  }
0x83: {  	_ =	shalt  }
0x84: {  	_ =	shalt  }
0x85: {  	_ =	shalt  }
0x86: {  	_ =	shalt  }
0x87: {  	_ =	shalt  }
.Lfunc_end0:
.L_simem_size_0:
called_computation_lowered:
.L_overlay_start_0:
0x88: {  	s2 =	sld [smem:$0x3FD9]  }
0x89: {  	s3 =	sld [smem:$0x3FFE];
	_ =	sdelay $0x1  }
0x8a: {  	s1 =	srdreg.scid  }
0x8b: {  	s0 =	sand.u32 $0x1, s1  }
0x8c: {  	s17 =	sshll.u32 s0, $0xA;
	s2 =	sadd.s32 s3, s2  }
0x8d: {  	s2 =	sadd.s32 s2, s17  }
0x8e: {  	[smem:$0x3FC5] =	sst s2  }
0x8f: {  	_ = 	snop  }
0x90: {  	s2 =	sld [smem:$0x3FD0];
	(tm) =	ssettm $0x1  }
0x91: {  	s18 =	sld [smem:$0x3FFB];
	_ =	sdelay $0x3  }
0x92: {  	_ =	strace s18  }
0x93: {  	s3 =	sld [smem:$0x3FFC];
	_ =	sdelay $0x3  }
0x94: {  	_ =	strace s3  }
0x95: {  	s3 =	sld [smem:$0x3FFD];
	_ =	sdelay $0x3  }
0x96: {  	_ =	strace s3  }
0x97: {  	_ =	strace $0x8FFFFFFF  }
0x98: {  	s19 =	sld [smem:$0x3FDB];
	_ =	sdelay $0x1  }
0x99: {  	s4 =	simm.s32 $_scs_section_size  }
0x9a: {  	s5 =	simm.s32 $_size__tile_overlayer_lowered;
	s6 =	simm.s32 $_tile_overlayer_lowered  }
0x9b: {  	s22 =	simm.s32 $0x1BFF;
	s21 =	sshll.u32 s6, $0x1;
	s3 =	sadd.s32 s4, s19  }
0x9c: {  	s7 =	simm.s32 $0x0;
	s20 =	sshll.u32 s5, $0x1;
	s5 =	sadd.s32 s21, s3  }
0x9d: {  	[timem:s7], [sflag:s22] =	dma.local [hbm:s5], s20  }
0x9e: {  	_ =	swait.ge [sflag:s22], s20  }
0x9f: {  	s4 =	ssub.s32 $0x0, s20;
	[sflag:s22] =	ssyncset.done $0x0  }
0xa0: {  	[sflag:s22] =	ssyncadd.s32 s4;
	_ =	sdelay $0x1  }
0xa1: {  	s23 =	simm.s32 $0x1B8B  }
0xa2: {  	_ =	swait.ge [sflag:s23], $0x1  }
0xa3: {  	[sflag:s23] =	ssyncset.done $0x0  }
0xa4: {  	s25 =	simm.s32 $0x1B8E;
	s24 =	sld [smem:$0x3FFE];
	[sflag:s23] =	ssyncadd.s32 $0xFFFFFFFF  }
0xa5: {  	s26 =	simm.s32 $execute0_lowered;
	[smem:$0x3FD2] =	sst s25  }
0xa6: {  	s5 =	sshll.u32 s26, $0x1;
	_ =	strace $0x80000046;
	[dreg:$0x1] =	wrdreg $0xFFFFFFFF  }
0xa7: {  	s28 =	simm.s32 $_size_execute0_lowered;
	s3 =	sadd.s32 s3, s5;
	[dreg:$0x0] =	wrdreg $0x0  }
0xa8: {  	s5 =	sshll.u32 s28, $0x1;
	[dreg:$0x2] =	wrdreg s3  }
0xa9: {  	[dreg:$0x3] =	wrdreg s5  }
0xaa: {  	[dreg:$0x4] =	wrdreg $0xC0  }
0xab: {  	_ =	task [dreg:s7], $0x5FFFF  }
0xac: {  	[dreg:$0x1] =	wrdreg $0xFFFFFFFF  }
0xad: {  	[dreg:$0x0] =	wrdreg $0x60  }
0xae: {  	[dreg:$0x2] =	wrdreg s24  }
0xaf: {  	[dreg:$0x3] =	wrdreg s2  }
0xb0: {  	[dreg:$0x4] =	wrdreg $0xA2800  }
0xb1: {  	[dreg:$0x5] =	wrdreg $0x9  }
0xb2: {  	_ =	task.clear_ibuf [dreg:s7], $0x6FFFF;
	_ =	strace $0x90000046  }
0xb3: {  	s29 =	simm.s32 $0x9;
	_ =	strace $0x80000048  }
0xb4: {  	_ =	swait.ge [sflag:s29], $0x1  }
0xb5: {  	[sflag:s29] =	ssyncadd.s32 $0xFFFFFFFF  }
0xb6: {  	_ =	strace $0x90000048  }
0xb7: {  	_ =	sfence  }
0xb8: {  	s30 =	sld [smem:$0x0];
	_ =	sdelay $0x2  }
0xb9: {  	s31 =	sshll.u32 s1, $0xD;
	s1 =	sshrl.u32 s1, $0x2  }
0xba: {  	s3 =	sand.u32 $0x4000, s31;
	s1 =	sadd.s32 s1, s30  }
0xbb: {  	s0 =	sor.u32 s3, s0;
	s1 =	sshll.u32 s1, $0x11  }
0xbc: {  	s0 =	sor.u32 s1, s0  }
0xbd: {  	s0 =	sadd.s32 $0x8F2B, s0  }
0xbe: {  	[sflag:s0] =	ssyncadd.remote.s32 $0x1  }
0xbf: {  	_ =	sfence.sel $0xFFFF  }
0xc0: {  	[dreg:$0x0] =	wrdreg $0xFFFFFFFF;
	(pc) =	sbr.abs _section_cstart, $3  }
0xc1: {  	[dreg:$0x1] =	wrdreg $0xFFFFFFFF  }
0xc2: {  	_ =	task.clear_ibuf [dreg:s7], $0x2FFFF;
	_ =	strace $0x9FFFFFFF  }
0xc3: {  	(tm) =	ssettm $0x7FFFFFFF  }
tec
execute0_lowered:
.L_overlay_start_1:
0x0: {  	(tag) =	ssettag $0x1  }
0x1: {  	s4 =	rddreg [dreg:$0x0]  }
0x2: {  	s0 =	stileid.u32;
	s16 =	rddreg [dreg:$0x1]  }
0x3: {  	s1 =	srdreg.scid;
	s2 =	rddreg [dreg:$0x2]  }
0x4: {  	s3 =	simm.s32 $0x0;
	s21 =	sand.u32 $0x1, s1;
	s5 =	smul.u32 $0xC80, s0  }
0x5: {  	s29 =	sshll.u32 s0, $0x1;
	s1 =	rddreg [dreg:$0x3];
	s7 =	smul.u32 $0x19000, s0  }
0x6: {  	[smem:$0x7FF] =	sst s3;
	p0 =	sgt.u32 s0, $0x4;
	s15 =	sor.u32 s21, s29  }
0x7: {  	_ =	strace $0x80000047;
	s6 =	smul.u32 $0x50, s15;
	s30 =	sshrl.u32 s7, $0x2  }
0x8: {  	s8 =	simm.s32 @!p0 $0x5;
	s5 =	sadd.s32 s5, s4;
	s7 =	sadd.s32 s30, s2  }
0x9: {  	s5 =	sadd.s32 $0x1000, s5;
	s4 =	sadd.s32 s6, s4;
	s6 =	sshll.u32 @!p0 s0, $0x6  }
0xa: {  	s7 =	sshrl.u32 @!p0 s7, $0x3;
	s4 =	sadd.s32 $0x5000, s4;
	s6 =	sor.u32 @!p0 $0x1C05, s6  }
0xb: {  	[tilespmem:s3], [sflag:$0x1] =	stream.linear.gather [hbm4b:s4+s3], $0x280, $0x38;
	[tilespmem:$0xC1C0] =	vst v63  }
0xc: {  	[spmem:s7], [sflag:s6] =	dma.local @!p0 [hbm:s5], $0xC80  }
0xd: {  	_ =	swait.ge @!p0 [sflag:s8], $0xC80  }
0xe: {  	[sflag:s8] =	ssyncset.done @!p0 $0x0  }
0xf: {  	[sflag:s8] =	ssyncadd.s32 @!p0 $0xFFFFF380  }
0x10: {  	s9 =	simm.s32 $0x1;
	[bflag:$0x0] =	sbarrier.arrive $0xFFFF  }
0x11: {  	_ =	swait.ge [sflag:s9], $0x280  }
0x12: {  	[sflag:s9] =	ssyncset.done $0x0  }
0x13: {  	s10 =	simm.s32 $0xA0;
	s11 =	simm.s32 $0x280;
	[sflag:s9] =	ssyncadd.s32 $0xFFFFFD80  }
0x14: {  	[tilespmem:s11], [sflag:$0x1] =	stream.indirect.gather [spmem:s2], $0x80, s3, s10, $0xb8;
	[tilespmem:$0xC1C0] =	vst v63  }
0x15: {  	_ =	swait.ge [sflag:s9], $0x5000  }
0x16: {  	[sflag:s9] =	ssyncset.done $0x0  }
0x17: {  	s12 =	simm.s32 $0x5280;
	s13 =	smul.u32 $0x2800, s15;
	[sflag:s9] =	ssyncadd.s32 $0xFFFFB000  }
0x18: {  	[tilespmem:s12], [sflag:$0x2] =	stream.indirect.gather [spmem:s2], $0x80, s10, s10, $0xb8;
	[tilespmem:$0xC1C0] =	vst v63  }
0x19: {  	s14 =	simm.s32 $0x2;
	s13 =	sadd.s32 s16, s13  }
0x1a: {  	[hbm4b:s13+s3] =	stream.linear.scatter [tilespmem:s11], [sflag:$0x3], $0x5000, $0x38;
	[tilespmem:$0xC1C0] =	vst v63  }
0x1b: {  	_ =	swait.ge [sflag:s14], $0x5000  }
0x1c: {  	[sflag:s14] =	ssyncset.done $0x0  }
0x1d: {  	s17 =	smul.u32 $0x14000, s15;
	s15 =	simm.s32 $0x3;
	[sflag:s14] =	ssyncadd.s32 $0xFFFFB000  }
0x1e: {  	_ =	swait.ge [sflag:s15], $0x5000  }
0x1f: {  	s17 =	sshrl.u32 s17, $0x3;
	[sflag:s15] =	ssyncset.done $0x0  }
0x20: {  	s22 =	sadd.s32 s16, s17;
	s16 =	simm.s32 $0x140;
	[sflag:s15] =	ssyncadd.s32 $0xFFFFB000  }
0x21: {  	[tilespmem:s11], [sflag:$0x1] =	stream.indirect.gather [spmem:s2], $0x80, s16, s10, $0xb8;
	[tilespmem:$0xC1C0] =	vst v63  }
0x22: {  	s17 =	sadd.s32 $0xA00, s22  }
0x23: {  	[hbm4b:s17+s3] =	stream.linear.scatter [tilespmem:s12], [sflag:$0x4], $0x5000, $0x38;
	[tilespmem:$0xC1C0] =	vst v63  }
0x24: {  	_ =	swait.ge [sflag:s9], $0x5000  }
0x25: {  	[sflag:s9] =	ssyncset.done $0x0  }
0x26: {  	s18 =	simm.s32 $0x4;
	[sflag:s9] =	ssyncadd.s32 $0xFFFFB000  }
0x27: {  	_ =	swait.ge [sflag:s18], $0x5000  }
0x28: {  	s23 =	ssub.s32 $0x2, s21;
	[sflag:s18] =	ssyncset.done $0x0  }
0x29: {  	s19 =	simm.s32 $0x1E0;
	s24 =	sshrl.u32 s23, $0x1;
	[sflag:s18] =	ssyncadd.s32 $0xFFFFB000  }
0x2a: {  	[tilespmem:s12], [sflag:$0x2] =	stream.indirect.gather [spmem:s2], $0x80, s19, s10, $0xb8;
	[tilespmem:$0xC1C0] =	vst v63  }
0x2b: {  	s31 =	ssub.s32 s23, s24;
	s20 =	sadd.s32 $0x1400, s22  }
0x2c: {  	[hbm4b:s20+s3] =	stream.linear.scatter [tilespmem:s11], [sflag:$0x3], $0x5000, $0x38;
	[tilespmem:$0xC1C0] =	vst v63  }
0x2d: {  	s21 =	sadd.s32 $0x1E00, s22;
	s22 =	smax.u32 s31, $0x1;
	_ =	swait.ge [sflag:s14], $0x5000  }
0x2e: {  	s22 =	sadd.s32 $0xFFFFFFFF, s22;
	[sflag:s14] =	ssyncset.done $0x0  }
0x2f: {  	p1 =	sne.s32 s22, $0x0;
	[sflag:s14] =	ssyncadd.s32 $0xFFFFB000  }
0x30: {  	[hbm4b:s21+s3] =	stream.linear.scatter [tilespmem:s12], [sflag:$0x4], $0x5000, $0x38;
	[tilespmem:$0xC1C0] =	vst v63  }
.Ltmp0:
0x31: {  	_ =	swait.ge [sflag:s15], $0x5000;
	(pc) =	sbr.rel @!p1 .LBB2_2-.Ltmp0, $4  }
0x32: {  	[sflag:s15] =	ssyncset.done $0x0  }
0x33: {  	[sflag:s15] =	ssyncadd.s32 $0xFFFFB000  }
0x34: {  	_ =	swait.ge [sflag:s18], $0x5000  }
0x35: {  	[sflag:s18] =	ssyncset.done $0x0  }
.LBB2_1:
0x36: {  	s22 =	sadd.s32 $0xFFFFFFFF, s22;
	[sflag:s18] =	ssyncadd.s32 $0xFFFFB000  }
0x37: {  	[tilespmem:s3], [sflag:$0x1] =	stream.linear.gather [hbm4b:s4+s3], $0x280, $0x38;
	[tilespmem:$0xC1C0] =	vst v63  }
0x38: {  	[spmem:s7], [sflag:s6] =	dma.local @!p0 [hbm:s5], $0xC80  }
0x39: {  	p1 =	sne.s32 s22, $0x0;
	_ =	swait.ge @!p0 [sflag:s8], $0xC80  }
0x3a: {  	[sflag:s8] =	ssyncset.done @!p0 $0x0  }
0x3b: {  	[sflag:s8] =	ssyncadd.s32 @!p0 $0xFFFFF380  }
0x3c: {  	[bflag:$0x0] =	sbarrier.arrive $0xFFFF  }
0x3d: {  	_ =	swait.ge [sflag:s9], $0x280  }
0x3e: {  	[sflag:s9] =	ssyncset.done $0x0  }
0x3f: {  	[sflag:s9] =	ssyncadd.s32 $0xFFFFFD80  }
0x40: {  	[tilespmem:s11], [sflag:$0x1] =	stream.indirect.gather [spmem:s2], $0x80, s3, s10, $0xb8;
	[tilespmem:$0xC1C0] =	vst v63  }
0x41: {  	_ =	swait.ge [sflag:s9], $0x5000  }
0x42: {  	[sflag:s9] =	ssyncset.done $0x0  }
0x43: {  	[sflag:s9] =	ssyncadd.s32 $0xFFFFB000  }
0x44: {  	[tilespmem:s12], [sflag:$0x2] =	stream.indirect.gather [spmem:s2], $0x80, s10, s10, $0xb8;
	[tilespmem:$0xC1C0] =	vst v63  }
0x45: {  	_ = 	snop  }
0x46: {  	[hbm4b:s13+s3] =	stream.linear.scatter [tilespmem:s11], [sflag:$0x3], $0x5000, $0x38;
	[tilespmem:$0xC1C0] =	vst v63  }
0x47: {  	_ =	swait.ge [sflag:s14], $0x5000  }
0x48: {  	[sflag:s14] =	ssyncset.done $0x0  }
0x49: {  	[sflag:s14] =	ssyncadd.s32 $0xFFFFB000  }
0x4a: {  	_ =	swait.ge [sflag:s15], $0x5000  }
0x4b: {  	[sflag:s15] =	ssyncset.done $0x0  }
0x4c: {  	[sflag:s15] =	ssyncadd.s32 $0xFFFFB000  }
0x4d: {  	[tilespmem:s11], [sflag:$0x1] =	stream.indirect.gather [spmem:s2], $0x80, s16, s10, $0xb8;
	[tilespmem:$0xC1C0] =	vst v63  }
0x4e: {  	_ = 	snop  }
0x4f: {  	[hbm4b:s17+s3] =	stream.linear.scatter [tilespmem:s12], [sflag:$0x4], $0x5000, $0x38;
	[tilespmem:$0xC1C0] =	vst v63  }
0x50: {  	_ =	swait.ge [sflag:s9], $0x5000  }
0x51: {  	[sflag:s9] =	ssyncset.done $0x0  }
0x52: {  	[sflag:s9] =	ssyncadd.s32 $0xFFFFB000  }
0x53: {  	_ =	swait.ge [sflag:s18], $0x5000  }
0x54: {  	[sflag:s18] =	ssyncset.done $0x0  }
0x55: {  	[sflag:s18] =	ssyncadd.s32 $0xFFFFB000  }
0x56: {  	[tilespmem:s12], [sflag:$0x2] =	stream.indirect.gather [spmem:s2], $0x80, s19, s10, $0xb8;
	[tilespmem:$0xC1C0] =	vst v63  }
0x57: {  	_ = 	snop  }
0x58: {  	[hbm4b:s20+s3] =	stream.linear.scatter [tilespmem:s11], [sflag:$0x3], $0x5000, $0x38;
	[tilespmem:$0xC1C0] =	vst v63  }
0x59: {  	_ =	swait.ge [sflag:s14], $0x5000  }
0x5a: {  	[sflag:s14] =	ssyncset.done $0x0  }
0x5b: {  	[sflag:s14] =	ssyncadd.s32 $0xFFFFB000  }
0x5c: {  	[hbm4b:s21+s3] =	stream.linear.scatter [tilespmem:s12], [sflag:$0x4], $0x5000, $0x38;
	[tilespmem:$0xC1C0] =	vst v63  }
.Ltmp1:
0x5d: {  	_ =	swait.ge [sflag:s15], $0x5000;
	(pc) =	sbr.rel @p1 .LBB2_1-.Ltmp1, $4  }
0x5e: {  	[sflag:s15] =	ssyncset.done $0x0  }
0x5f: {  	[sflag:s15] =	ssyncadd.s32 $0xFFFFB000  }
0x60: {  	_ =	swait.ge [sflag:s18], $0x5000  }
0x61: {  	[sflag:s18] =	ssyncset.done $0x0  }
.LBB2_2:
0x62: {  	[sflag:s18] =	ssyncadd.s32 $0xFFFFB000  }
0x63: {  	_ =	sfence.sel $0x180000  }
0x64: {  	[bflag:$0x0] =	sbarrier.arrive $0xFFFF  }
0x65: {  	p0 =	sne.s32 s0, $0x0;
	_ =	strace $0x90000047  }
0x66: {  	s0 =	sadd.s32 @!p0 $0x100000, s1;
	[bflag:$0x2] =	sbarrier.arrive $0xFFFF  }
0x67: {  	[sflag:s0] =	ssyncadd.tile.s32 @!p0 $0x1;
	_ =	shalt  }
.Lfunc_end2:
_tile_overlayer_lowered:
.L_overlay_start_2:
0x68: {  	(tag) =	ssettag $0x2  }
0x69: {  	s0 =	rddreg [dreg:$0x0];
	s2 =	stileid.u32  }
0x6a: {  	s1 =	rddreg [dreg:$0x1];
	p0 =	sne.s32 s2, $0x0  }
0x6b: {  	s3 =	rddreg [dreg:$0x2];
	[bflag:$0x3] =	sbarrier.arrive $0xFFFF;
	s2 =	simm.s32 @!p0 $0x1C05  }
0x6c: {  	[timem:s3], [sflag:s2] =	dma.local @!p0 [hbm:s0], s1  }
0x6d: {  	s0 =	simm.s32 @!p0 $0x5  }
0x6e: {  	_ =	swait.ge @!p0 [sflag:s0], s1  }
0x6f: {  	s1 =	ssub.s32 @!p0 $0x0, s1;
	[sflag:s0] =	ssyncset.done @!p0 $0x0  }
0x70: {  	[sflag:s0] =	ssyncadd.s32 @!p0 s1  }
0x71: {  	[bflag:$0x3] =	sbarrier.arrive $0xFFFF  }
0x72: {  	_ =	shalt  }

</sc_bundles>
